<compile_context>
chip_gen: v7x
topology: tpu7x:2x2x1
jax: 0.10.2.dev20260603
libtpu: 0.0.44.dev20260713+nightly
codegen_flags: <defaults>
</compile_context>

<pallas_src>
import jax
import jax.numpy as jnp
from jax.experimental import pallas as pl


def _k(in_ref, out_ref):
    out_ref[0] = in_ref[0]


def kernel(input):
    bs = input.shape[0]
    flat = input.reshape(bs, 255, 2704)
    out = pl.pallas_call(
        _k,
        grid=(bs,),
        in_specs=[pl.BlockSpec((1, 255, 2704), lambda b: (b, 0, 0))],
        out_specs=pl.BlockSpec((1, 255, 2704), lambda b: (b, 0, 0)),
        out_shape=jax.ShapeDtypeStruct((bs, 255, 2704), jnp.float32),
    )(flat)
    return out.reshape(bs, 8112, 85)

# --- scband reference (transcript-rebuilt; emitter-appended) ---
"""Pipeline reference for scband-yolo-54254026883511 (READ-ONLY COPY).

The authoritative reference and input builder live on the scoring server;
editing this copy changes nothing except your own understanding.
"""

import jax, jax.numpy as jnp
import numpy as np

ANCHORS = [[10.0, 13.0], [16.0, 30.0], [33.0, 23.0]]
NUM_ANCHORS = 3
NUM_CLASSES = 80
BBOX_ATTRS = 5 + NUM_CLASSES
IMAGE_SIZE = (416, 416)


def setup_inputs(seed: int = 0) -> dict:
    key = jax.random.key(seed)
    inp = jax.random.normal(key, (32, NUM_ANCHORS * BBOX_ATTRS, 52, 52), dtype=jnp.float32)
    return {"input": inp}


def reference(input) -> jnp.ndarray:
    bs, _, in_h, in_w = input.shape
    stride_h = IMAGE_SIZE[0] / in_h
    stride_w = IMAGE_SIZE[1] / in_w

    # view(bs, A, attrs, H, W).permute(0,1,3,4,2)
    prediction = input.reshape(bs, NUM_ANCHORS, BBOX_ATTRS, in_h, in_w).transpose(0, 1, 3, 4, 2)

    x = jax.nn.sigmoid(prediction[..., 0])
    y = jax.nn.sigmoid(prediction[..., 1])
    w = prediction[..., 2]
    h = prediction[..., 3]
    conf = jax.nn.sigmoid(prediction[..., 4])
    pred_cls = jax.nn.sigmoid(prediction[..., 5:])

    grid_x = jnp.tile(jnp.arange(in_w, dtype=jnp.float32)[None, :], (in_h, 1))[None, None, :, :]
    grid_y = jnp.tile(jnp.arange(in_h, dtype=jnp.float32)[:, None], (1, in_w))[None, None, :, :]

    anchors = jnp.asarray(ANCHORS, dtype=jnp.float32)
    anchor_w = anchors[:, 0].reshape(1, NUM_ANCHORS, 1, 1)
    anchor_h = anchors[:, 1].reshape(1, NUM_ANCHORS, 1, 1)

    sg = jax.lax.stop_gradient  # torch uses .data for pred_boxes (detached)
    bx = (sg(x) + grid_x) * stride_w
    by = (sg(y) + grid_y) * stride_h
    bw = jnp.exp(sg(w)) * anchor_w
    bh = jnp.exp(sg(h)) * anchor_h
    pred_boxes = jnp.stack([bx, by, bw, bh], axis=-1)

    output = jnp.concatenate(
        [
            pred_boxes.reshape(bs, -1, 4),
            conf.reshape(bs, -1, 1),
            pred_cls.reshape(bs, -1, NUM_CLASSES),
        ],
        axis=-1,
    )
    return output

if __name__ == "__main__":
    import jax
    _d = setup_inputs()
    print(jax.jit(kernel)(*tuple(_d.values())))

</pallas_src>

<mosaic_0001>
module attributes {stable_mosaic.version = 14 : i64} {
  func.func @_k(%arg0: i32, %arg1: memref<1x255x2704xf32, #tpu.memory_space<vmem>>, %arg2: memref<1x255x2704xf32, #tpu.memory_space<vmem>>) attributes {dimension_semantics = [#tpu.dimension_semantics<arbitrary>], iteration_bounds = array<i64: 32>, scalar_prefetch = 0 : i64, scratch_operands = 0 : i64, tpu.core_type = #tpu.core_type<tc>, window_params = [{transform_indices = @transform_0, window_bounds = array<i64: 1, 255, 2704>}, {transform_indices = @transform_1, window_bounds = array<i64: 1, 255, 2704>}]} {
    %get3A = arith.constant 0 : index
    %get3A_0 = arith.constant 0 : index
    %get3A_1 = arith.constant 0 : index
    %get3A_2 = vector.load %arg1[%get3A, %get3A_0, %get3A_1] : memref<1x255x2704xf32, #tpu.memory_space<vmem>>, vector<1x255x2704xf32>
    %get3A_3 = vector.shape_cast %get3A_2 : vector<1x255x2704xf32> to vector<255x2704xf32>
    %swap3A = arith.constant 0 : index
    %swap3A_4 = arith.constant 0 : index
    %swap3A_5 = arith.constant 0 : index
    %swap3A_6 = vector.load %arg2[%swap3A, %swap3A_4, %swap3A_5] : memref<1x255x2704xf32, #tpu.memory_space<vmem>>, vector<1x255x2704xf32>
    %swap3A_7 = vector.shape_cast %swap3A_6 : vector<1x255x2704xf32> to vector<255x2704xf32>
    %swap3A_8 = vector.shape_cast %get3A_3 : vector<255x2704xf32> to vector<1x255x2704xf32>
    tpu.vector_store %arg2[%swap3A, %swap3A_4, %swap3A_5], %swap3A_8 {strides = array<i32>} : memref<1x255x2704xf32, #tpu.memory_space<vmem>>, vector<1x255x2704xf32>,
    return
  }
  func.func @transform_0(%arg0: i32) -> (i32, i32, i32) {
    %c0_i32 = arith.constant 0 : i32
    %c0_i32_0 = arith.constant 0 : i32
    %c0_i32_1 = arith.constant 0 : i32
    return %arg0, %c0_i32, %c0_i32_0 : i32, i32, i32
  }
  func.func @transform_1(%arg0: i32) -> (i32, i32, i32) {
    %c0_i32 = arith.constant 0 : i32
    %c0_i32_0 = arith.constant 0 : i32
    %c0_i32_1 = arith.constant 0 : i32
    return %arg0, %c0_i32, %c0_i32_0 : i32, i32, i32
  }
}

</mosaic_0001>

<sc_bundles>
// kernel: sparse-core-data-format-call.cloned.1.call-start
scs
called_computation_lowered:
.L_overlay_start_0:
0x0: {  	s2 =	sld [smem:$0x3FD9]  }
0x1: {  	s3 =	sld [smem:$0x3FFE];
	_ =	sdelay $0x1  }
0x2: {  	s1 =	srdreg.scid  }
0x3: {  	s0 =	sand.u32 $0x1, s1  }
0x4: {  	s18 =	sshll.u32 s0, $0xA;
	s2 =	sadd.s32 s3, s2  }
0x5: {  	s2 =	sadd.s32 s2, s18  }
0x6: {  	[smem:$0x3FC7] =	sst s2  }
0x7: {  	_ = 	snop  }
0x8: {  	s2 =	sld [smem:$0x3FD0];
	(tm) =	ssettm $0x1  }
0x9: {  	s19 =	sld [smem:$0x3FFB];
	_ =	sdelay $0x3  }
0xa: {  	_ =	strace s19  }
0xb: {  	s3 =	sld [smem:$0x3FFC];
	_ =	sdelay $0x3  }
0xc: {  	_ =	strace s3  }
0xd: {  	s3 =	sld [smem:$0x3FFD];
	_ =	sdelay $0x3  }
0xe: {  	_ =	strace s3  }
0xf: {  	_ =	strace $0x8FFFFFFF  }
0x10: {  	s20 =	sld [smem:$0x3FDB];
	_ =	sdelay $0x1  }
0x11: {  	s4 =	simm.s32 $_scs_section_size  }
0x12: {  	s5 =	simm.s32 $_size__tile_overlayer_lowered;
	s6 =	simm.s32 $_tile_overlayer_lowered  }
0x13: {  	s23 =	simm.s32 $0x1BFF;
	s22 =	sshll.u32 s6, $0x1;
	s3 =	sadd.s32 s4, s20  }
0x14: {  	s7 =	simm.s32 $0x0;
	s21 =	sshll.u32 s5, $0x1;
	s5 =	sadd.s32 s22, s3  }
0x15: {  	[timem:s7], [sflag:s23] =	dma.local [hbm:s5], s21  }
0x16: {  	_ =	swait.ge [sflag:s23], s21  }
0x17: {  	s4 =	ssub.s32 $0x0, s21;
	[sflag:s23] =	ssyncset.done $0x0  }
0x18: {  	[sflag:s23] =	ssyncadd.s32 s4;
	_ =	sdelay $0x1  }
0x19: {  	s24 =	simm.s32 $0x1B8B  }
0x1a: {  	_ =	swait.ge [sflag:s24], $0x1  }
0x1b: {  	[sflag:s24] =	ssyncset.done $0x0  }
0x1c: {  	s26 =	simm.s32 $0x1B8E;
	s25 =	sld [smem:$0x3FFE];
	[sflag:s24] =	ssyncadd.s32 $0xFFFFFFFF  }
0x1d: {  	s27 =	simm.s32 $execute0_lowered;
	[smem:$0x3FD2] =	sst s26  }
0x1e: {  	s5 =	sshll.u32 s27, $0x1;
	_ =	strace $0x80000046;
	[dreg:$0x1] =	wrdreg $0xFFFFFFFF  }
0x1f: {  	s28 =	simm.s32 $_size_execute0_lowered;
	s3 =	sadd.s32 s3, s5;
	[dreg:$0x0] =	wrdreg $0x0  }
0x20: {  	s5 =	sshll.u32 s28, $0x1;
	[dreg:$0x2] =	wrdreg s3  }
0x21: {  	[dreg:$0x3] =	wrdreg s5  }
0x22: {  	[dreg:$0x4] =	wrdreg $0xC0  }
0x23: {  	_ =	task [dreg:s7], $0x5FFFF  }
0x24: {  	[dreg:$0x1] =	wrdreg $0xFFFFFFFF  }
0x25: {  	[dreg:$0x0] =	wrdreg $0x60  }
0x26: {  	[dreg:$0x2] =	wrdreg s25  }
0x27: {  	[dreg:$0x3] =	wrdreg s2  }
0x28: {  	[dreg:$0x4] =	wrdreg $0x9  }
0x29: {  	_ =	task.clear_ibuf [dreg:s7], $0x5FFFF;
	_ =	strace $0x90000046  }
0x2a: {  	s29 =	simm.s32 $0x9;
	_ =	strace $0x80000048  }
0x2b: {  	_ =	swait.ge [sflag:s29], $0x1  }
0x2c: {  	[sflag:s29] =	ssyncadd.s32 $0xFFFFFFFF  }
0x2d: {  	_ =	strace $0x90000048  }
0x2e: {  	_ =	sfence  }
0x2f: {  	s30 =	sld [smem:$0x0];
	_ =	sdelay $0x2  }
0x30: {  	s31 =	sshll.u32 s1, $0xD;
	s1 =	sshrl.u32 s1, $0x2  }
0x31: {  	s3 =	sand.u32 $0x4000, s31;
	s1 =	sadd.s32 s1, s30  }
0x32: {  	s0 =	sor.u32 s3, s0;
	s1 =	sshll.u32 s1, $0x11  }
0x33: {  	s0 =	sor.u32 s1, s0  }
0x34: {  	s0 =	sadd.s32 $0x8F2B, s0  }
0x35: {  	[sflag:s0] =	ssyncadd.remote.s32 $0x1  }
0x36: {  	_ =	sfence.sel $0xFFFF  }
0x37: {  	[dreg:$0x0] =	wrdreg $0xFFFFFFFF;
	(pc) =	sbr.abs _section_cstart, $3  }
0x38: {  	[dreg:$0x1] =	wrdreg $0xFFFFFFFF  }
0x39: {  	_ =	task.clear_ibuf [dreg:s7], $0x2FFFF;
	_ =	strace $0x9FFFFFFF  }
0x3a: {  	(tm) =	ssettm $0x7FFFFFFF  }
0x3b: {  	_ =	shalt  }
tec
execute0_lowered:
.L_overlay_start_1:
0x0: {  	(tag) =	ssettag $0x1  }
0x1: {  	s0 =	rddreg [dreg:$0x0];
	_ =	strace $0x80000047;
	s31 =	srdreg.scid  }
0x2: {  	s2 =	stileid.u32;
	s4 =	simm.s32 $0x1;
	s1 =	simm.s32 $0x2  }
.Ltmp0:
0x3: {  	s12 =	simm.s32 $0x0;
	s13 =	simm.s32 $0x0;
	(pc) =	sbr.rel .LBB1_1-.Ltmp0, $4  }
0x4: {  	s8 =	simm.s32 $0x0;
	s3 =	sadd.s32 $0x580400, s0;
	s0 =	sshll.u32 s31, $0x4  }
0x5: {  	s10 =	simm.s32 $0x0;
	s9 =	simm.s32 $0x0;
	s0 =	sand.u32 $0x10, s0  }
0x6: {  	s7 =	simm.s32 $0x0;
	[sflag:s4] =	ssyncpa.u1 $0x0;
	s5 =	sor.u32 s2, s0  }
0x7: {  	s21 =	simm.s32 $0x0;
	[sflag:s1] =	ssyncpa.u1 $0x0;
	s11 =	smov.u32 s5  }
.LBB1_11:
0x8: {  	p0 =	sgt.s32 s8, $0x1F80;
	s0 =	smov.u32 s8  }
0x9: {  	s1 =	sand.u32 $0x78, s8;
	s0 =	simm.s32 @!p0 $0x1F80  }
0xa: {  	s6 =	sshll.u32 s10, $0xD;
	s25 =	sshll.u32 s10, $0x7;
	s0 =	sadd.s32 s15, s0  }
0xb: {  	s26 =	sshll.u32 s8, $0x3;
	s28 =	sand.u32 $0x7, s8;
	s2 =	sadd.s32 $0xFFFFE080, s0  }
0xc: {  	s24 =	sand.u32 $0x30000, s6;
	s0 =	ssub.s32 $0x2000, s0;
	p0 =	sgt.s32 s2, $0x7F  }
0xd: {  	s6 =	sand.u32 $0x380, s25;
	s27 =	sand.u32 $0x1C00, s26;
	s0 =	simm.s32 @p0 $0x0  }
0xe: {  	s1 =	sor.u32 s6, s1;
	s2 =	sadd.s32 s24, s26;
	s0 =	smul.u32 s0, s14  }
0xf: {  	s29 =	sor.u32 $0x8000, s16;
	s1 =	sor.u32 s27, s1;
	s2 =	sand.u32 $0x3E000, s2  }
0x10: {  	s30 =	rddreg [dreg:$0x1];
	s1 =	sor.u32 s2, s1;
	s0 =	smul.u32 $0x55, s0  }
0x11: {  	s31 =	simm.s32 $0x40000;
	s2 =	sshll.u32 s28, $0x12;
	s1 =	sshrl.u32 s1, $0x3  }
0x12: {  	s2 =	sor.u32 $0x80, s2;
	s1 =	sadd.s32 s30, s1;
	s0 =	sand.u32 $0x3FFFFFFF, s0  }
0x13: {  	[hbm4b:s1+s2] =	stream.strided.scatter [tilespmem:s29], [sflag:$0x2], s0, s31, s2, $0x20;
	[tilespmem:$0x10100] =	vst v63  }
.LBB1_12:
0x14: {  	p0 =	slt.u32 s7, $0x2  }
0x15: {  	s1 =	smov.u32 s13;
	s2 =	smov.u32 s12;
	p1 =	sgt.s32 @!p0 s13, $0x1F  }
0x16: {  	s0 =	sshra.s32 @!p0 s13, $0x1F;
	p2 =	sgt.s32 @!p0 s12, $0x1F80;
	s6 =	sshra.s32 @!p0 s12, $0x1F  }
0x17: {  	p1 =	por !p1, p0;
	s0 =	sand.u32 @!p0 s0, s13;
	p2 =	por !p2, p0  }
0x18: {  	s6 =	sand.u32 @!p0 s6, s12;
	s1 =	simm.s32 @p1 $0x1F;
	s2 =	simm.s32 @p2 $0x1F80  }
0x19: {  	s0 =	ssub.s32 @!p0 s1, s0;
	s1 =	ssub.s32 @!p0 s2, s6  }
0x1a: {  	s2 =	sadd.s32 @!p0 $0xFFFFFFE1, s0;
	s0 =	ssub.s32 @!p0 $0x20, s0;
	s6 =	sadd.s32 @!p0 $0xFFFFE080, s1  }
0x1b: {  	p1 =	sgt.s32 @!p0 s2, $0x0;
	s0 =	smul.u32 @!p0 $0x55, s0;
	p2 =	sgt.s32 @!p0 s6, $0x7F  }
0x1c: {  	s1 =	ssub.s32 @!p0 $0x2000, s1;
	p1 =	por !p1, p0;
	p2 =	por !p2, p0  }
0x1d: {  	s0 =	simm.s32 @!p1 $0x0;
	s1 =	simm.s32 @!p2 $0x0  }
0x1e: {  	s0 =	smul.u32 @!p0 s1, s0;
	s1 =	sadd.s32 $0x80, s9  }
0x1f: {  	s14 =	smov.u32 s11;
	s6 =	sadd.s32 $0x20, s11;
	p1 =	sgt.s32 s1, $0x1FAF  }
0x20: {  	s14 =	smov.u32 @p1 s6  }
0x21: {  	s7 =	sadd.s32 $0x1, s7;
	s1 =	simm.s32 @p1 $0x0;
	p1 =	sgt.s32 s14, $0x1F  }
0x22: {  	s14 =	smov.u32 @p1 s5;
	p1 =	sne.s32 s7, $0x42  }
.Ltmp1:
0x23: {  	_ = 	snop;
	(pc) =	sbr.rel @!p1 .LBB1_13-.Ltmp1, $4  }
0x24: {  	s12 =	smov.u32 s8;
	s2 =	simm.s32 @!p0 $0x2;
	s0 =	sand.u32 @!p0 $0x3FFFFFFF, s0  }
0x25: {  	s13 =	smov.u32 s10;
	s8 =	smov.u32 s9;
	_ =	swait.ge @!p0 [sflag:s2], s0  }
0x26: {  	s10 =	smov.u32 s11;
	s0 =	ssub.s32 @!p0 $0x0, s0;
	[sflag:s2] =	ssyncset.done @!p0 $0x0  }
0x27: {  	s9 =	smov.u32 s1;
	[sflag:s2] =	ssyncadd.s32 @!p0 s0;
	s11 =	smov.u32 s14  }
.LBB1_1:
0x28: {  	p0 =	sgt.u32 s7, $0x3F;
	s1 =	smov.u32 s11  }
0x29: {  	s15 =	smov.u32 s9;
	p1 =	sgt.s32 @!p0 s11, $0x1F;
	s0 =	sand.u32 @!p0 $0x1FFFFFF, s9  }
0x2a: {  	s14 =	sshra.s32 @!p0 s11, $0x1F;
	s16 =	sshra.s32 @!p0 s9, $0x1F;
	p1 =	por !p1, p0  }
0x2b: {  	s2 =	smulhi.u32 @!p0 $0x102865, s0;
	s1 =	simm.s32 @p1 $0x1F;
	p1 =	sgt.s32 @!p0 s9, $0x1F30  }
0x2c: {  	s14 =	sand.u32 @!p0 s14, s11;
	s16 =	sand.u32 @!p0 s16, s9;
	p1 =	por !p1, p0  }
0x2d: {  	s1 =	ssub.s32 @!p0 s1, s14;
	s2 =	sshrl.u32 @!p0 s2, $0x1;
	s15 =	simm.s32 @p1 $0x1F30  }
0x2e: {  	s1 =	sadd.s32 @!p0 $0xFFFFFFE1, s1;
	s2 =	smul.u32 @!p0 $0x1FB0, s2;
	s14 =	ssub.s32 @!p0 s15, s16  }
0x2f: {  	p1 =	sgt.s32 @!p0 s1, $0x0;
	s1 =	sshll.u32 @!p0 s1, $0x7;
	s15 =	sadd.s32 @!p0 $0xFFFFE0D0, s14  }
0x30: {  	s16 =	smul.u32 @!p0 $0x1FB00, s11;
	s14 =	ssub.s32 @!p0 $0x1FB0, s14;
	p2 =	sgt.s32 @!p0 s15, $0x7F  }
0x31: {  	s1 =	ssub.s32 @!p0 $0x80, s1;
	p1 =	por !p1, p0;
	p2 =	por !p2, p0  }
0x32: {  	s15 =	sxor.u32 @!p0 $0xFFFFFFFF, s7;
	s1 =	simm.s32 @!p1 $0x0;
	s14 =	simm.s32 @!p2 $0x0  }
0x33: {  	s0 =	ssub.s32 @!p0 s0, s2;
	s2 =	sshll.u32 @!p0 s15, $0xE;
	s1 =	smul.u32 @!p0 s14, s1  }
0x34: {  	s0 =	sshll.u32 @!p0 s0, $0x4;
	s2 =	sand.u32 @!p0 $0x4000, s2;
	s14 =	sadd.s32 @!p0 s3, s16  }
0x35: {  	s0 =	sadd.s32 @!p0 s0, s14;
	s14 =	simm.s32 @!p0 $0x0;
	s1 =	sand.u32 @!p0 $0x3FFFFF80, s1  }
0x36: {  	[tilespmem:s2], [sflag:$0x1] =	stream.linear.gather @!p0 [hbm4b:s0+s14], s1, $0x38;
	[tilespmem:$0x10100] =	vst v63  }
0x37: {  	p0 =	seq.s32 s7, $0x0  }
0x38: {  	p1 =	seq.s32 @!p0 s7, $0x41  }
0x39: {  	p0 =	por p0, p1  }
.Ltmp2:
0x3a: {  	_ = 	snop;
	(pc) =	sbr.rel @p0 .LBB1_12-.Ltmp2, $1  }
0x3b: {  	_ =	sdelay $0x3  }
0x3c: {  	p0 =	sgt.s32 s10, $0x1F  }
0x3d: {  	s0 =	smov.u32 s10;
	s1 =	sshra.s32 s10, $0x1F;
	s2 =	ssub.s32 $0x0, s8  }
0x3e: {  	s14 =	sshra.s32 s8, $0x1F;
	s0 =	simm.s32 @!p0 $0x1F;
	s1 =	sand.u32 s1, s10  }
0x3f: {  	s16 =	smov.u32 s8;
	p0 =	sgt.s32 s8, $0x1F30;
	s0 =	ssub.s32 s0, s1  }
0x40: {  	s15 =	sand.u32 s2, s14;
	s16 =	simm.s32 @!p0 $0x1F30;
	s1 =	sadd.s32 $0xFFFFFFE1, s0  }
0x41: {  	s2 =	sadd.s32 s15, s16;
	s14 =	ssub.s32 $0x20, s0;
	p0 =	sgt.s32 s1, $0x0  }
0x42: {  	s30 =	sadd.s32 $0xFFFFE0D0, s2;
	s0 =	ssub.s32 $0x1FB0, s2;
	s1 =	sadd.s32 $0x1, s10  }
0x43: {  	s2 =	sadd.s32 $0x80, s8;
	s14 =	simm.s32 @p0 $0x0;
	p0 =	slt.s32 s1, $0x20  }
0x44: {  	s1 =	simm.s32 @!p0 $0x20;
	p0 =	slt.s32 s2, $0x1FB0  }
0x45: {  	p1 =	sgt.s32 s30, $0x7F;
	s17 =	ssub.s32 s1, s10;
	s2 =	simm.s32 @!p0 $0x1FB0  }
0x46: {  	s0 =	simm.s32 @p1 $0x0;
	s18 =	ssub.s32 s2, s8;
	p0 =	slt.s32 s17, $0x1  }
0x47: {  	s0 =	smul.u32 s0, s14;
	p1 =	slt.s32 @!p0 s18, $0x1  }
0x48: {  	p1 =	por p0, p1  }
.Ltmp3:
0x49: {  	s0 =	sshll.u32 s0, $0x7;
	(pc) =	sbr.rel @p1 .LBB1_11-.Ltmp3, $4  }
0x4a: {  	s31 =	sand.u32 $0x3FFFFF80, s0  }
0x4b: {  	_ =	swait.ge [sflag:s4], s31  }
0x4c: {  	s0 =	sand.u32 $0x1, s7;
	s1 =	ssub.s32 $0x0, s31;
	[sflag:s4] =	ssyncset.done $0x0  }
0x4d: {  	s16 =	smul.u32 $0x4080, s0;
	[sflag:s4] =	ssyncadd.s32 s1  }
0x4e: {  	_ = 	snop  }
0x4f: {  	s19 =	sshll.u32 @!p0 s0, $0xE;
	s22 =	simm.s32 $0x0;
	s20 =	sor.u32 @!p0 $0x8000, s16  }
.LBB1_4:
0x50: {  	s0 =	sshll.u32 s22, $0x10  }
0x51: {  	s0 =	sshra.s32 s0, $0x2  }
0x52: {  	s0 =	sadd.s32 s0, s19  }
0x53: {  	v0 =	vmov s0;
	_ =	sdelay $0x2  }
0x54: {  	s30 =	sand.u32 $0x7, s22  }
0x55: {  	s31 =	sand.u32 $0x3F80, s21;
	p1 =	sne.s32 s18, $0x1;
	s0 =	smul.u32 $0x204, s30  }
.Ltmp4:
0x56: {  	v11 =	vld.idx.msk [tilespmem:v0+s31+$0x0 ss:$0x1], $0xffff;
	(pc) =	sbr.rel @!p1 .LBB1_5-.Ltmp4, $4  }
0x57: {  	s1 =	simm.s32 $0x1;
	s0 =	sshrl.u32 s0, $0x2;
	v8 =	vld.idx.msk [tilespmem:v0+s31+$0x10 ss:$0x1], $0xffff  }
0x58: {  	s2 =	simm.s32 $0x80;
	p0 =	por $0x0, $0x0;
	s28 =	sadd.s32 s0, s20;
	v9 =	vld.idx.msk [tilespmem:v0+s31+$0x20 ss:$0x1], $0xffff  }
0x59: {  	s0 =	sand.u32 $0x7F, s21;
	s26 =	sadd.s32 $0x810, s28;
	s27 =	sadd.s32 $0x1020, s28;
	v10 =	vld.idx.msk [tilespmem:v0+s31+$0x30 ss:$0x1], $0xffff  }
0x5a: {  	s25 =	sadd.s32 $0x1830, s28;
	s24 =	sadd.s32 $0x2040, s28;
	s23 =	sadd.s32 $0x2850, s28;
	v7 =	vld.idx.msk [tilespmem:v0+s31+$0x40 ss:$0x1], $0xffff  }
0x5b: {  	_ =	sdelay $0x3  }
0x5c: {  	s30 =	sand.u32 $0x3F80, s2;
	s6 =	sadd.s32 s0, s28;
	v1 =	vld.idx.msk [tilespmem:v0+s31+$0x50 ss:$0x1], $0xffff;
	p1 =	sne.s32 s18, $0x2  }
.Ltmp5:
0x5d: {  	v2 =	vld.idx.msk [tilespmem:v0+s30+$0x0 ss:$0x1], $0xffff;
	[tilespmem:s6+$0x0 ss:$0x81] =	vst.msk $0xffff, v11;
	s6 =	sadd.s32 s0, s26;
	(pc) =	sbr.rel @!p1 .LBB1_7-.Ltmp5, $4  }
0x5e: {  	v3 =	vld.idx.msk [tilespmem:v0+s30+$0x10 ss:$0x1], $0xffff;
	[tilespmem:s6+$0x0 ss:$0x81] =	vst.msk $0xffff, v8;
	s6 =	sadd.s32 s0, s27  }
0x5f: {  	v4 =	vld.idx.msk [tilespmem:v0+s30+$0x20 ss:$0x1], $0xffff;
	[tilespmem:s6+$0x0 ss:$0x81] =	vst.msk $0xffff, v9;
	s6 =	sadd.s32 s0, s25  }
0x60: {  	s31 =	simm.s32 $0x2;
	s29 =	sand.u32 $0x7F, s1;
	v5 =	vld.idx.msk [tilespmem:v0+s30+$0x30 ss:$0x1], $0xffff;
	[tilespmem:s6+$0x0 ss:$0x81] =	vst.msk $0xffff, v10;
	s6 =	sadd.s32 s0, s24  }
0x61: {  	s1 =	simm.s32 $0x100;
	s2 =	sadd.s32 s0, s23;
	p0 =	por $0x1, $0x1;
	v6 =	vld.idx.msk [tilespmem:v0+s30+$0x40 ss:$0x1], $0xffff;
	[tilespmem:s6+$0x0 ss:$0x81] =	vst.msk $0xffff, v7  }
.LBB1_8:
0x62: {  	s6 =	smov.u32 s31;
	s31 =	sadd.s32 $0x1, s31  }
0x63: {  	s0 =	sadd.s32 s29, s28;
	[tilespmem:s2+$0x0 ss:$0x81] =	vst.msk $0xffff, v1;
	v1 =	vld.idx.msk [tilespmem:v0+s30+$0x50 ss:$0x1], $0xffff;
	s30 =	sand.u32 $0x3F80, s1;
	p1 =	sne.s32 s18, s31  }
.Ltmp6:
0x64: {  	[tilespmem:s0+$0x0 ss:$0x81] =	vst.msk $0xffff, v2;
	v2 =	vld.idx.msk [tilespmem:v0+s30+$0x0 ss:$0x1], $0xffff;
	s0 =	sadd.s32 s29, s26;
	(pc) =	sbr.rel @p1 .LBB1_8-.Ltmp6, $4  }
0x65: {  	[tilespmem:s0+$0x0 ss:$0x81] =	vst.msk $0xffff, v3;
	v3 =	vld.idx.msk [tilespmem:v0+s30+$0x10 ss:$0x1], $0xffff;
	s0 =	sadd.s32 s29, s27  }
0x66: {  	[tilespmem:s0+$0x0 ss:$0x81] =	vst.msk $0xffff, v4;
	v4 =	vld.idx.msk [tilespmem:v0+s30+$0x20 ss:$0x1], $0xffff;
	s0 =	sadd.s32 s29, s25  }
0x67: {  	[tilespmem:s0+$0x0 ss:$0x81] =	vst.msk $0xffff, v5;
	v5 =	vld.idx.msk [tilespmem:v0+s30+$0x30 ss:$0x1], $0xffff;
	s0 =	sadd.s32 s29, s24  }
0x68: {  	s1 =	sadd.s32 $0x80, s1;
	s2 =	sadd.s32 s29, s23;
	s29 =	sand.u32 $0x7F, s6;
	[tilespmem:s0+$0x0 ss:$0x81] =	vst.msk $0xffff, v6;
	v6 =	vld.idx.msk [tilespmem:v0+s30+$0x40 ss:$0x1], $0xffff  }
0x69: {  	_ =	sdelay $0x3  }
0x6a: {  	s0 =	smov.u32 s29;
	s31 =	smov.u32 s30;
	v11 =	vmovc v2;
	v8 =	vmovc v3;
	v9 =	vmov v4;
	v10 =	vmov v5;
	v7 =	vmov v6  }
.LBB1_10:
0x6b: {  	_ =	sdelay $0x2  }
0x6c: {  	s1 =	sadd.s32 s0, s28;
	[tilespmem:s2+$0x0 ss:$0x81] =	vst.msk @p0 $0xffff, v1;
	s22 =	sadd.s32 $0x1, s22  }
0x6d: {  	v0 =	vld.idx.msk [tilespmem:v0+s31+$0x50 ss:$0x1], $0xffff;
	s26 =	sadd.s32 s0, s26;
	[tilespmem:s1+$0x0 ss:$0x81] =	vst.msk $0xffff, v11;
	p0 =	sne.s32 s22, s17  }
.Ltmp7:
0x6e: {  	s28 =	sadd.s32 s0, s27;
	[tilespmem:s26+$0x0 ss:$0x81] =	vst.msk $0xffff, v8;
	(pc) =	sbr.rel @p0 .LBB1_4-.Ltmp7, $4  }
.Ltmp8:
0x6f: {  	s29 =	sadd.s32 s0, s25;
	[tilespmem:s28+$0x0 ss:$0x81] =	vst.msk $0xffff, v9;
	(pc) =	sbr.rel @!p0 .LBB1_11-.Ltmp8, $4  }
0x70: {  	s30 =	sadd.s32 s0, s24;
	[tilespmem:s29+$0x0 ss:$0x81] =	vst.msk $0xffff, v10  }
0x71: {  	s31 =	sadd.s32 s0, s23;
	[tilespmem:s30+$0x0 ss:$0x81] =	vst.msk $0xffff, v7  }
0x72: {  	[tilespmem:s31+$0x0 ss:$0x81] =	vst.msk $0xffff, v0  }
0x73: {  	_ = 	snop  }
.LBB1_5:
.Ltmp9:
0x74: {  	(pc) =	sbr.rel .LBB1_10-.Ltmp9, $2  }
0x75: {  	_ =	sdelay $0x2  }
0x76: {  	_ = 	snop  }
.LBB1_7:
.Ltmp10:
0x77: {  	_ = 	snop;
	(pc) =	sbr.rel .LBB1_10-.Ltmp10, $2  }
0x78: {  	_ =	sdelay $0x2  }
0x79: {  	s0 =	smov.u32 s29;
	s31 =	smov.u32 s30;
	v11 =	vmovc v2;
	v8 =	vmovc v3;
	v9 =	vmov v4;
	v10 =	vmov v5;
	v7 =	vmov v6  }
.LBB1_13:
0x7a: {  	_ =	sfence.sel $0x180000  }
0x7b: {  	s0 =	simm.s32 $0x1;
	[bflag:$0x0] =	sbarrier.arrive $0xFFFF  }
0x7c: {  	s30 =	simm.s32 $0x2;
	[sflag:s0] =	ssyncpa.u1 $0x1  }
0x7d: {  	[sflag:s30] =	ssyncpa.u1 $0x1  }
0x7e: {  	_ =	strace $0x90000047  }
0x7f: {  	s31 =	stileid.u32;
	[bflag:$0x2] =	sbarrier.arrive $0xFFFF  }
0x80: {  	p0 =	sne.s32 s31, $0x0;
	s0 =	rddreg [dreg:$0x2]  }
0x81: {  	s0 =	sadd.s32 @!p0 $0x100000, s0  }
0x82: {  	[sflag:s0] =	ssyncadd.tile.s32 @!p0 $0x1;
	_ =	shalt  }
.Lfunc_end1:
_tile_overlayer_lowered:
.L_overlay_start_2:
0x83: {  	(tag) =	ssettag $0x2  }
0x84: {  	s0 =	rddreg [dreg:$0x0];
	s2 =	stileid.u32  }
0x85: {  	s1 =	rddreg [dreg:$0x1];
	p0 =	sne.s32 s2, $0x0  }
0x86: {  	s3 =	rddreg [dreg:$0x2];
	[bflag:$0x3] =	sbarrier.arrive $0xFFFF;
	s2 =	simm.s32 @!p0 $0x1C01  }
0x87: {  	[timem:s3], [sflag:s2] =	dma.local @!p0 [hbm:s0], s1  }
0x88: {  	s0 =	simm.s32 @!p0 $0x1  }
0x89: {  	_ =	swait.ge @!p0 [sflag:s0], s1  }
0x8a: {  	s1 =	ssub.s32 @!p0 $0x0, s1;
	[sflag:s0] =	ssyncset.done @!p0 $0x0  }
0x8b: {  	[sflag:s0] =	ssyncadd.s32 @!p0 s1  }
0x8c: {  	[bflag:$0x3] =	sbarrier.arrive $0xFFFF  }
0x8d: {  	_ =	shalt  }

</sc_bundles>
